<compile_context>
chip_gen: v7x
topology: tpu7x:2x2x1
jax: 0.10.2.dev20260603
libtpu: 0.0.44.dev20260713+nightly
codegen_flags: <defaults>
</compile_context>

<pallas_src>
import functools

import jax
import jax.numpy as jnp
from jax import lax
from jax.experimental import pallas as pl
from jax.experimental.pallas import tpu as pltpu
from jax.experimental.pallas import tpu_sc as plsc

N_TILE = 8192


def _tc_body(w_ref, x_ref, b_ref, vals_ref, pmax_ref, pidx_ref, *, n, t_tiles):
    t = pl.program_id(0)
    lhs = jnp.concatenate([w_ref[...], b_ref[...].reshape(1, -1)], axis=0)
    rhs = jnp.concatenate(
        [x_ref[...], jnp.ones((x_ref.shape[0], 1), jnp.float32)], axis=1)
    vals = lax.dot_general(
        lhs, rhs,
        dimension_numbers=(((0,), (1,)), ((), ())),
        preferred_element_type=jnp.float32)
    vals_ref[...] = vals
    iota = lax.broadcasted_iota(jnp.int32, vals.shape, 0)

    def epilogue(v):
        col_max = jnp.max(v, axis=0, keepdims=True)
        lidx = jnp.min(jnp.where(v == col_max, iota, N_TILE),
                       axis=0, keepdims=True)
        pmax_ref[...] = col_max.reshape(1, 1, v.shape[1])
        pidx_ref[...] = (lidx + t * N_TILE).reshape(1, 1, v.shape[1])

    @pl.when(t != t_tiles - 1)
    def _():
        epilogue(vals)

    @pl.when(t == t_tiles - 1)
    def _():
        epilogue(jnp.where(iota < n - t * N_TILE, vals, -jnp.inf))


def _sc_merge_body(pmax_hbm, pidx_hbm, out_hbm, vmax, vidx, vout, *, t_tiles):
    wid = lax.axis_index("s")

    @pl.when(wid < 8)
    def _():
        base = wid * 16
        pltpu.sync_copy(pmax_hbm, vmax)
        pltpu.sync_copy(pidx_hbm, vidx)
        m = vmax[0, 0, pl.ds(base, 16)]
        a = vidx[0, 0, pl.ds(base, 16)]
        for t in range(1, t_tiles):
            v = vmax[t, 0, pl.ds(base, 16)]
            i = vidx[t, 0, pl.ds(base, 16)]
            upd = v > m
            m = jnp.where(upd, v, m)
            a = jnp.where(upd, i, a)
        vout[...] = a
        pltpu.sync_copy(vout, out_hbm.at[pl.ds(base, 16)])


def kernel(x, W, b):
    bsz, d = x.shape
    n = W.shape[1]
    t_tiles = pl.cdiv(n, N_TILE)

    vals_t, pmax, pidx = pl.pallas_call(
        functools.partial(_tc_body, n=n, t_tiles=t_tiles),
        grid=(t_tiles,),
        in_specs=[
            pl.BlockSpec((d, N_TILE), lambda t: (0, t)),
            pl.BlockSpec((bsz, d), lambda t: (0, 0)),
            pl.BlockSpec((N_TILE,), lambda t: (t,)),
        ],
        out_specs=[
            pl.BlockSpec((N_TILE, bsz), lambda t: (t, 0)),
            pl.BlockSpec((1, 1, bsz), lambda t: (t, 0, 0)),
            pl.BlockSpec((1, 1, bsz), lambda t: (t, 0, 0)),
        ],
        out_shape=[
            jax.ShapeDtypeStruct((n, bsz), jnp.float32),
            jax.ShapeDtypeStruct((t_tiles, 1, bsz), jnp.float32),
            jax.ShapeDtypeStruct((t_tiles, 1, bsz), jnp.int32),
        ],
        compiler_params=pltpu.CompilerParams(
            dimension_semantics=("parallel",)),
    )(W, x, b)

    mesh = plsc.VectorSubcoreMesh(core_axis_name="c", subcore_axis_name="s",
                                  num_cores=1)
    sc_merge = functools.partial(
        pl.kernel,
        mesh=mesh,
        out_type=jax.ShapeDtypeStruct((bsz,), jnp.int32),
        scratch_types=[
            pltpu.VMEM((t_tiles, 1, bsz), jnp.float32),
            pltpu.VMEM((t_tiles, 1, bsz), jnp.int32),
            pltpu.VMEM((16,), jnp.int32),
        ],
    )(functools.partial(_sc_merge_body, t_tiles=t_tiles))

    actions = sc_merge(pmax, pidx)
    return (actions.astype(jnp.int64), vals_t.T)

# --- scband reference (transcript-rebuilt; emitter-appended) ---
"""Pipeline reference for scband-greedy-policy-28235115004530 (READ-ONLY COPY).

The authoritative reference and input builder live on the scoring server;
editing this copy changes nothing except your own understanding.
"""

import jax, jax.numpy as jnp
import numpy as np


def setup_inputs(seed: int = 0) -> dict:
    key = jax.random.key(seed)
    kx, kw = jax.random.split(key)
    # forward input: state features [B, d]
    x = jax.random.normal(kx, (128, 64), dtype=jnp.float32)
    # learned parameters of the wrapped value model (single Dense: d -> num_actions)
    W = jax.random.normal(kw, (64, 100000), dtype=jnp.float32) * 0.02
    b = jnp.zeros((100000,), dtype=jnp.float32)
    return {"x": x, "W": W, "b": b}


def reference(x, W, b):
    # wrapped value model: values = model(inputs), rank-2 output [B, N]
    values = jnp.dot(x, W) + b
    # GreedyPolicy: argmax over action dimension, output_type int64
    actions = jnp.argmax(values, axis=-1).astype(jnp.int64)
    # debug=True -> policy returns (actions, values)
    return (actions, values)

if __name__ == "__main__":
    import jax
    _d = setup_inputs()
    print(jax.jit(kernel)(*tuple(_d.values())))

</pallas_src>

<mosaic_0001>
#map = affine_map<(d0, d1) -> (0, 0, 0)>
#map1 = affine_map<(d0, d1) -> (0)>
module attributes {stable_mosaic.version = 14 : i64} {
  func.func @_sc_merge_body(%arg0: i32, %arg1: i32, %arg2: memref<13x1x128xf32, #tpu.memory_space<hbm>>, %arg3: memref<13x1x128xi32, #tpu.memory_space<hbm>>, %arg4: memref<128xi32, #tpu.memory_space<hbm>>, %arg5: memref<13x1x128xf32, #tpu.memory_space<vmem>>, %arg6: memref<13x1x128xi32, #tpu.memory_space<vmem>>, %arg7: memref<16xi32, #tpu.memory_space<vmem>>) attributes {dimension_semantics = [#tpu.dimension_semantics<core_parallel>, #tpu.dimension_semantics<subcore_parallel>], iteration_bounds = array<i64: 1, 16>, scalar_prefetch = 0 : i64, scratch_operands = 3 : i64, tpu.core_type = #tpu.core_type<sc_vector_subcore>, window_params = [{transform_indices = #map}, {transform_indices = #map}, {transform_indices = #map1}]} {
    %lt3A = arith.constant 8 : i32
    %lt3A_0 = arith.cmpi slt, %arg1, %lt3A : i32
    %convert_element_type3A = arith.extui %lt3A_0 : i1 to i32
    %cond3A = arith.constant 0 : i32
    %cond3A_1 = arith.cmpi ne, %convert_element_type3A, %cond3A : i32
    scf.if %cond3A_1 {
      %mul3A = arith.constant 16 : i32
      %mul3A_2 = arith.muli %arg1, %mul3A : i32
      "tpu.region"() ({
        %run_scoped3A = tpu.sem_alloc : memref<!tpu.dma_semaphore, #tpu.memory_space<semaphore_mem>>
        tpu.enqueue_dma source(%arg2 : memref<13x1x128xf32, #tpu.memory_space<hbm>>) target(%arg5 : memref<13x1x128xf32, #tpu.memory_space<vmem>>) target_semaphore(%run_scoped3A : memref<!tpu.dma_semaphore, #tpu.memory_space<semaphore_mem>>)
        tpu.wait_dma2 semaphore(%run_scoped3A : memref<!tpu.dma_semaphore, #tpu.memory_space<semaphore_mem>>) src(%arg2 : memref<13x1x128xf32, #tpu.memory_space<hbm>>) dst(%arg5 : memref<13x1x128xf32, #tpu.memory_space<vmem>>)
        tpu.yield
      }) : () -> ()
      "tpu.region"() ({
        %run_scoped3A = tpu.sem_alloc : memref<!tpu.dma_semaphore, #tpu.memory_space<semaphore_mem>>
        tpu.enqueue_dma source(%arg3 : memref<13x1x128xi32, #tpu.memory_space<hbm>>) target(%arg6 : memref<13x1x128xi32, #tpu.memory_space<vmem>>) target_semaphore(%run_scoped3A : memref<!tpu.dma_semaphore, #tpu.memory_space<semaphore_mem>>)
        tpu.wait_dma2 semaphore(%run_scoped3A : memref<!tpu.dma_semaphore, #tpu.memory_space<semaphore_mem>>) src(%arg3 : memref<13x1x128xi32, #tpu.memory_space<hbm>>) dst(%arg6 : memref<13x1x128xi32, #tpu.memory_space<vmem>>)
        tpu.yield
      }) : () -> ()
      %get3A = arith.constant 0 : i32
      %get3A_3 = arith.constant 0 : i32
      %get3A_4 = arith.index_cast %get3A : i32 to index
      %get3A_5 = arith.index_cast %get3A_3 : i32 to index
      %get3A_6 = arith.index_cast %mul3A_2 : i32 to index
      %get3A_7 = tpu.vector_load %arg5[%get3A_4, %get3A_5, %get3A_6] {strides = array<i32>} : memref<13x1x128xf32, #tpu.memory_space<vmem>>, vector<1x1x16xf32>,
      %get3A_8 = vector.shape_cast %get3A_7 : vector<1x1x16xf32> to vector<16xf32>
      %get3A_9 = arith.constant 0 : i32
      %get3A_10 = arith.constant 0 : i32
      %get3A_11 = arith.index_cast %get3A_9 : i32 to index
      %get3A_12 = arith.index_cast %get3A_10 : i32 to index
      %get3A_13 = arith.index_cast %mul3A_2 : i32 to index
      %get3A_14 = tpu.vector_load %arg6[%get3A_11, %get3A_12, %get3A_13] {strides = array<i32>} : memref<13x1x128xi32, #tpu.memory_space<vmem>>, vector<1x1x16xi32>,
      %get3A_15 = vector.shape_cast %get3A_14 : vector<1x1x16xi32> to vector<16xi32>
      %get3A_16 = arith.constant 1 : i32
      %get3A_17 = arith.constant 0 : i32
      %get3A_18 = arith.index_cast %get3A_16 : i32 to index
      %get3A_19 = arith.index_cast %get3A_17 : i32 to index
      %get3A_20 = arith.index_cast %mul3A_2 : i32 to index
      %get3A_21 = tpu.vector_load %arg5[%get3A_18, %get3A_19, %get3A_20] {strides = array<i32>} : memref<13x1x128xf32, #tpu.memory_space<vmem>>, vector<1x1x16xf32>,
      %get3A_22 = vector.shape_cast %get3A_21 : vector<1x1x16xf32> to vector<16xf32>
      %get3A_23 = arith.constant 1 : i32
      %get3A_24 = arith.constant 0 : i32
      %get3A_25 = arith.index_cast %get3A_23 : i32 to index
      %get3A_26 = arith.index_cast %get3A_24 : i32 to index
      %get3A_27 = arith.index_cast %mul3A_2 : i32 to index
      %get3A_28 = tpu.vector_load %arg6[%get3A_25, %get3A_26, %get3A_27] {strides = array<i32>} : memref<13x1x128xi32, #tpu.memory_space<vmem>>, vector<1x1x16xi32>,
      %get3A_29 = vector.shape_cast %get3A_28 : vector<1x1x16xi32> to vector<16xi32>
      %gt3A = arith.cmpf ogt, %get3A_22, %get3A_8 : vector<16xf32>
      %select_n3A = arith.select %gt3A, %get3A_22, %get3A_8 : vector<16xi1>, vector<16xf32>
      %select_n3A_30 = arith.select %gt3A, %get3A_29, %get3A_15 : vector<16xi1>, vector<16xi32>
      %get3A_31 = arith.constant 2 : i32
      %get3A_32 = arith.constant 0 : i32
      %get3A_33 = arith.index_cast %get3A_31 : i32 to index
      %get3A_34 = arith.index_cast %get3A_32 : i32 to index
      %get3A_35 = arith.index_cast %mul3A_2 : i32 to index
      %get3A_36 = tpu.vector_load %arg5[%get3A_33, %get3A_34, %get3A_35] {strides = array<i32>} : memref<13x1x128xf32, #tpu.memory_space<vmem>>, vector<1x1x16xf32>,
      %get3A_37 = vector.shape_cast %get3A_36 : vector<1x1x16xf32> to vector<16xf32>
      %get3A_38 = arith.constant 2 : i32
      %get3A_39 = arith.constant 0 : i32
      %get3A_40 = arith.index_cast %get3A_38 : i32 to index
      %get3A_41 = arith.index_cast %get3A_39 : i32 to index
      %get3A_42 = arith.index_cast %mul3A_2 : i32 to index
      %get3A_43 = tpu.vector_load %arg6[%get3A_40, %get3A_41, %get3A_42] {strides = array<i32>} : memref<13x1x128xi32, #tpu.memory_space<vmem>>, vector<1x1x16xi32>,
      %get3A_44 = vector.shape_cast %get3A_43 : vector<1x1x16xi32> to vector<16xi32>
      %gt3A_45 = arith.cmpf ogt, %get3A_37, %select_n3A : vector<16xf32>
      %select_n3A_46 = arith.select %gt3A_45, %get3A_37, %select_n3A : vector<16xi1>, vector<16xf32>
      %select_n3A_47 = arith.select %gt3A_45, %get3A_44, %select_n3A_30 : vector<16xi1>, vector<16xi32>
      %get3A_48 = arith.constant 3 : i32
      %get3A_49 = arith.constant 0 : i32
      %get3A_50 = arith.index_cast %get3A_48 : i32 to index
      %get3A_51 = arith.index_cast %get3A_49 : i32 to index
      %get3A_52 = arith.index_cast %mul3A_2 : i32 to index
      %get3A_53 = tpu.vector_load %arg5[%get3A_50, %get3A_51, %get3A_52] {strides = array<i32>} : memref<13x1x128xf32, #tpu.memory_space<vmem>>, vector<1x1x16xf32>,
      %get3A_54 = vector.shape_cast %get3A_53 : vector<1x1x16xf32> to vector<16xf32>
      %get3A_55 = arith.constant 3 : i32
      %get3A_56 = arith.constant 0 : i32
      %get3A_57 = arith.index_cast %get3A_55 : i32 to index
      %get3A_58 = arith.index_cast %get3A_56 : i32 to index
      %get3A_59 = arith.index_cast %mul3A_2 : i32 to index
      %get3A_60 = tpu.vector_load %arg6[%get3A_57, %get3A_58, %get3A_59] {strides = array<i32>} : memref<13x1x128xi32, #tpu.memory_space<vmem>>, vector<1x1x16xi32>,
      %get3A_61 = vector.shape_cast %get3A_60 : vector<1x1x16xi32> to vector<16xi32>
      %gt3A_62 = arith.cmpf ogt, %get3A_54, %select_n3A_46 : vector<16xf32>
      %select_n3A_63 = arith.select %gt3A_62, %get3A_54, %select_n3A_46 : vector<16xi1>, vector<16xf32>
      %select_n3A_64 = arith.select %gt3A_62, %get3A_61, %select_n3A_47 : vector<16xi1>, vector<16xi32>
      %get3A_65 = arith.constant 4 : i32
      %get3A_66 = arith.constant 0 : i32
      %get3A_67 = arith.index_cast %get3A_65 : i32 to index
      %get3A_68 = arith.index_cast %get3A_66 : i32 to index
      %get3A_69 = arith.index_cast %mul3A_2 : i32 to index
      %get3A_70 = tpu.vector_load %arg5[%get3A_67, %get3A_68, %get3A_69] {strides = array<i32>} : memref<13x1x128xf32, #tpu.memory_space<vmem>>, vector<1x1x16xf32>,
      %get3A_71 = vector.shape_cast %get3A_70 : vector<1x1x16xf32> to vector<16xf32>
      %get3A_72 = arith.constant 4 : i32
      %get3A_73 = arith.constant 0 : i32
      %get3A_74 = arith.index_cast %get3A_72 : i32 to index
      %get3A_75 = arith.index_cast %get3A_73 : i32 to index
      %get3A_76 = arith.index_cast %mul3A_2 : i32 to index
      %get3A_77 = tpu.vector_load %arg6[%get3A_74, %get3A_75, %get3A_76] {strides = array<i32>} : memref<13x1x128xi32, #tpu.memory_space<vmem>>, vector<1x1x16xi32>,
      %get3A_78 = vector.shape_cast %get3A_77 : vector<1x1x16xi32> to vector<16xi32>
      %gt3A_79 = arith.cmpf ogt, %get3A_71, %select_n3A_63 : vector<16xf32>
      %select_n3A_80 = arith.select %gt3A_79, %get3A_71, %select_n3A_63 : vector<16xi1>, vector<16xf32>
      %select_n3A_81 = arith.select %gt3A_79, %get3A_78, %select_n3A_64 : vector<16xi1>, vector<16xi32>
      %get3A_82 = arith.constant 5 : i32
      %get3A_83 = arith.constant 0 : i32
      %get3A_84 = arith.index_cast %get3A_82 : i32 to index
      %get3A_85 = arith.index_cast %get3A_83 : i32 to index
      %get3A_86 = arith.index_cast %mul3A_2 : i32 to index
      %get3A_87 = tpu.vector_load %arg5[%get3A_84, %get3A_85, %get3A_86] {strides = array<i32>} : memref<13x1x128xf32, #tpu.memory_space<vmem>>, vector<1x1x16xf32>,
      %get3A_88 = vector.shape_cast %get3A_87 : vector<1x1x16xf32> to vector<16xf32>
      %get3A_89 = arith.constant 5 : i32
      %get3A_90 = arith.constant 0 : i32
      %get3A_91 = arith.index_cast %get3A_89 : i32 to index
      %get3A_92 = arith.index_cast %get3A_90 : i32 to index
      %get3A_93 = arith.index_cast %mul3A_2 : i32 to index
      %get3A_94 = tpu.vector_load %arg6[%get3A_91, %get3A_92, %get3A_93] {strides = array<i32>} : memref<13x1x128xi32, #tpu.memory_space<vmem>>, vector<1x1x16xi32>,
      %get3A_95 = vector.shape_cast %get3A_94 : vector<1x1x16xi32> to vector<16xi32>
      %gt3A_96 = arith.cmpf ogt, %get3A_88, %select_n3A_80 : vector<16xf32>
      %select_n3A_97 = arith.select %gt3A_96, %get3A_88, %select_n3A_80 : vector<16xi1>, vector<16xf32>
      %select_n3A_98 = arith.select %gt3A_96, %get3A_95, %select_n3A_81 : vector<16xi1>, vector<16xi32>
      %get3A_99 = arith.constant 6 : i32
      %get3A_100 = arith.constant 0 : i32
      %get3A_101 = arith.index_cast %get3A_99 : i32 to index
      %get3A_102 = arith.index_cast %get3A_100 : i32 to index
      %get3A_103 = arith.index_cast %mul3A_2 : i32 to index
      %get3A_104 = tpu.vector_load %arg5[%get3A_101, %get3A_102, %get3A_103] {strides = array<i32>} : memref<13x1x128xf32, #tpu.memory_space<vmem>>, vector<1x1x16xf32>,
      %get3A_105 = vector.shape_cast %get3A_104 : vector<1x1x16xf32> to vector<16xf32>
      %get3A_106 = arith.constant 6 : i32
      %get3A_107 = arith.constant 0 : i32
      %get3A_108 = arith.index_cast %get3A_106 : i32 to index
      %get3A_109 = arith.index_cast %get3A_107 : i32 to index
      %get3A_110 = arith.index_cast %mul3A_2 : i32 to index
      %get3A_111 = tpu.vector_load %arg6[%get3A_108, %get3A_109, %get3A_110] {strides = array<i32>} : memref<13x1x128xi32, #tpu.memory_space<vmem>>, vector<1x1x16xi32>,
      %get3A_112 = vector.shape_cast %get3A_111 : vector<1x1x16xi32> to vector<16xi32>
      %gt3A_113 = arith.cmpf ogt, %get3A_105, %select_n3A_97 : vector<16xf32>
      %select_n3A_114 = arith.select %gt3A_113, %get3A_105, %select_n3A_97 : vector<16xi1>, vector<16xf32>
      %select_n3A_115 = arith.select %gt3A_113, %get3A_112, %select_n3A_98 : vector<16xi1>, vector<16xi32>
      %get3A_116 = arith.constant 7 : i32
      %get3A_117 = arith.constant 0 : i32
      %get3A_118 = arith.index_cast %get3A_116 : i32 to index
      %get3A_119 = arith.index_cast %get3A_117 : i32 to index
      %get3A_120 = arith.index_cast %mul3A_2 : i32 to index
      %get3A_121 = tpu.vector_load %arg5[%get3A_118, %get3A_119, %get3A_120] {strides = array<i32>} : memref<13x1x128xf32, #tpu.memory_space<vmem>>, vector<1x1x16xf32>,
      %get3A_122 = vector.shape_cast %get3A_121 : vector<1x1x16xf32> to vector<16xf32>
      %get3A_123 = arith.constant 7 : i32
      %get3A_124 = arith.constant 0 : i32
      %get3A_125 = arith.index_cast %get3A_123 : i32 to index
      %get3A_126 = arith.index_cast %get3A_124 : i32 to index
      %get3A_127 = arith.index_cast %mul3A_2 : i32 to index
      %get3A_128 = tpu.vector_load %arg6[%get3A_125, %get3A_126, %get3A_127] {strides = array<i32>} : memref<13x1x128xi32, #tpu.memory_space<vmem>>, vector<1x1x16xi32>,
      %get3A_129 = vector.shape_cast %get3A_128 : vector<1x1x16xi32> to vector<16xi32>
      %gt3A_130 = arith.cmpf ogt, %get3A_122, %select_n3A_114 : vector<16xf32>
      %select_n3A_131 = arith.select %gt3A_130, %get3A_122, %select_n3A_114 : vector<16xi1>, vector<16xf32>
      %select_n3A_132 = arith.select %gt3A_130, %get3A_129, %select_n3A_115 : vector<16xi1>, vector<16xi32>
      %get3A_133 = arith.constant 8 : i32
      %get3A_134 = arith.constant 0 : i32
      %get3A_135 = arith.index_cast %get3A_133 : i32 to index
      %get3A_136 = arith.index_cast %get3A_134 : i32 to index
      %get3A_137 = arith.index_cast %mul3A_2 : i32 to index
      %get3A_138 = tpu.vector_load %arg5[%get3A_135, %get3A_136, %get3A_137] {strides = array<i32>} : memref<13x1x128xf32, #tpu.memory_space<vmem>>, vector<1x1x16xf32>,
      %get3A_139 = vector.shape_cast %get3A_138 : vector<1x1x16xf32> to vector<16xf32>
      %get3A_140 = arith.constant 8 : i32
      %get3A_141 = arith.constant 0 : i32
      %get3A_142 = arith.index_cast %get3A_140 : i32 to index
      %get3A_143 = arith.index_cast %get3A_141 : i32 to index
      %get3A_144 = arith.index_cast %mul3A_2 : i32 to index
      %get3A_145 = tpu.vector_load %arg6[%get3A_142, %get3A_143, %get3A_144] {strides = array<i32>} : memref<13x1x128xi32, #tpu.memory_space<vmem>>, vector<1x1x16xi32>,
      %get3A_146 = vector.shape_cast %get3A_145 : vector<1x1x16xi32> to vector<16xi32>
      %gt3A_147 = arith.cmpf ogt, %get3A_139, %select_n3A_131 : vector<16xf32>
      %select_n3A_148 = arith.select %gt3A_147, %get3A_139, %select_n3A_131 : vector<16xi1>, vector<16xf32>
      %select_n3A_149 = arith.select %gt3A_147, %get3A_146, %select_n3A_132 : vector<16xi1>, vector<16xi32>
      %get3A_150 = arith.constant 9 : i32
      %get3A_151 = arith.constant 0 : i32
      %get3A_152 = arith.index_cast %get3A_150 : i32 to index
      %get3A_153 = arith.index_cast %get3A_151 : i32 to index
      %get3A_154 = arith.index_cast %mul3A_2 : i32 to index
      %get3A_155 = tpu.vector_load %arg5[%get3A_152, %get3A_153, %get3A_154] {strides = array<i32>} : memref<13x1x128xf32, #tpu.memory_space<vmem>>, vector<1x1x16xf32>,
      %get3A_156 = vector.shape_cast %get3A_155 : vector<1x1x16xf32> to vector<16xf32>
      %get3A_157 = arith.constant 9 : i32
      %get3A_158 = arith.constant 0 : i32
      %get3A_159 = arith.index_cast %get3A_157 : i32 to index
      %get3A_160 = arith.index_cast %get3A_158 : i32 to index
      %get3A_161 = arith.index_cast %mul3A_2 : i32 to index
      %get3A_162 = tpu.vector_load %arg6[%get3A_159, %get3A_160, %get3A_161] {strides = array<i32>} : memref<13x1x128xi32, #tpu.memory_space<vmem>>, vector<1x1x16xi32>,
      %get3A_163 = vector.shape_cast %get3A_162 : vector<1x1x16xi32> to vector<16xi32>
      %gt3A_164 = arith.cmpf ogt, %get3A_156, %select_n3A_148 : vector<16xf32>
      %select_n3A_165 = arith.select %gt3A_164, %get3A_156, %select_n3A_148 : vector<16xi1>, vector<16xf32>
      %select_n3A_166 = arith.select %gt3A_164, %get3A_163, %select_n3A_149 : vector<16xi1>, vector<16xi32>
      %get3A_167 = arith.constant 10 : i32
      %get3A_168 = arith.constant 0 : i32
      %get3A_169 = arith.index_cast %get3A_167 : i32 to index
      %get3A_170 = arith.index_cast %get3A_168 : i32 to index
      %get3A_171 = arith.index_cast %mul3A_2 : i32 to index
      %get3A_172 = tpu.vector_load %arg5[%get3A_169, %get3A_170, %get3A_171] {strides = array<i32>} : memref<13x1x128xf32, #tpu.memory_space<vmem>>, vector<1x1x16xf32>,
      %get3A_173 = vector.shape_cast %get3A_172 : vector<1x1x16xf32> to vector<16xf32>
      %get3A_174 = arith.constant 10 : i32
      %get3A_175 = arith.constant 0 : i32
      %get3A_176 = arith.index_cast %get3A_174 : i32 to index
      %get3A_177 = arith.index_cast %get3A_175 : i32 to index
      %get3A_178 = arith.index_cast %mul3A_2 : i32 to index
      %get3A_179 = tpu.vector_load %arg6[%get3A_176, %get3A_177, %get3A_178] {strides = array<i32>} : memref<13x1x128xi32, #tpu.memory_space<vmem>>, vector<1x1x16xi32>,
      %get3A_180 = vector.shape_cast %get3A_179 : vector<1x1x16xi32> to vector<16xi32>
      %gt3A_181 = arith.cmpf ogt, %get3A_173, %select_n3A_165 : vector<16xf32>
      %select_n3A_182 = arith.select %gt3A_181, %get3A_173, %select_n3A_165 : vector<16xi1>, vector<16xf32>
      %select_n3A_183 = arith.select %gt3A_181, %get3A_180, %select_n3A_166 : vector<16xi1>, vector<16xi32>
      %get3A_184 = arith.constant 11 : i32
      %get3A_185 = arith.constant 0 : i32
      %get3A_186 = arith.index_cast %get3A_184 : i32 to index
      %get3A_187 = arith.index_cast %get3A_185 : i32 to index
      %get3A_188 = arith.index_cast %mul3A_2 : i32 to index
      %get3A_189 = tpu.vector_load %arg5[%get3A_186, %get3A_187, %get3A_188] {strides = array<i32>} : memref<13x1x128xf32, #tpu.memory_space<vmem>>, vector<1x1x16xf32>,
      %get3A_190 = vector.shape_cast %get3A_189 : vector<1x1x16xf32> to vector<16xf32>
      %get3A_191 = arith.constant 11 : i32
      %get3A_192 = arith.constant 0 : i32
      %get3A_193 = arith.index_cast %get3A_191 : i32 to index
      %get3A_194 = arith.index_cast %get3A_192 : i32 to index
      %get3A_195 = arith.index_cast %mul3A_2 : i32 to index
      %get3A_196 = tpu.vector_load %arg6[%get3A_193, %get3A_194, %get3A_195] {strides = array<i32>} : memref<13x1x128xi32, #tpu.memory_space<vmem>>, vector<1x1x16xi32>,
      %get3A_197 = vector.shape_cast %get3A_196 : vector<1x1x16xi32> to vector<16xi32>
      %gt3A_198 = arith.cmpf ogt, %get3A_190, %select_n3A_182 : vector<16xf32>
      %select_n3A_199 = arith.select %gt3A_198, %get3A_190, %select_n3A_182 : vector<16xi1>, vector<16xf32>
      %select_n3A_200 = arith.select %gt3A_198, %get3A_197, %select_n3A_183 : vector<16xi1>, vector<16xi32>
      %get3A_201 = arith.constant 12 : i32
      %get3A_202 = arith.constant 0 : i32
      %get3A_203 = arith.index_cast %get3A_201 : i32 to index
      %get3A_204 = arith.index_cast %get3A_202 : i32 to index
      %get3A_205 = arith.index_cast %mul3A_2 : i32 to index
      %get3A_206 = tpu.vector_load %arg5[%get3A_203, %get3A_204, %get3A_205] {strides = array<i32>} : memref<13x1x128xf32, #tpu.memory_space<vmem>>, vector<1x1x16xf32>,
      %get3A_207 = vector.shape_cast %get3A_206 : vector<1x1x16xf32> to vector<16xf32>
      %get3A_208 = arith.constant 12 : i32
      %get3A_209 = arith.constant 0 : i32
      %get3A_210 = arith.index_cast %get3A_208 : i32 to index
      %get3A_211 = arith.index_cast %get3A_209 : i32 to index
      %get3A_212 = arith.index_cast %mul3A_2 : i32 to index
      %get3A_213 = tpu.vector_load %arg6[%get3A_210, %get3A_211, %get3A_212] {strides = array<i32>} : memref<13x1x128xi32, #tpu.memory_space<vmem>>, vector<1x1x16xi32>,
      %get3A_214 = vector.shape_cast %get3A_213 : vector<1x1x16xi32> to vector<16xi32>
      %gt3A_215 = arith.cmpf ogt, %get3A_207, %select_n3A_199 : vector<16xf32>
      %select_n3A_216 = arith.select %gt3A_215, %get3A_207, %select_n3A_199 : vector<16xi1>, vector<16xf32>
      %select_n3A_217 = arith.select %gt3A_215, %get3A_214, %select_n3A_200 : vector<16xi1>, vector<16xi32>
      %swap3A = arith.constant 0 : index
      %swap3A_218 = tpu.vector_load %arg7[%swap3A] {strides = array<i32>} : memref<16xi32, #tpu.memory_space<vmem>>, vector<16xi32>,
      %swap3A_219 = vector.shape_cast %swap3A_218 : vector<16xi32> to vector<16xi32>
      %swap3A_220 = vector.shape_cast %select_n3A_217 : vector<16xi32> to vector<16xi32>
      tpu.vector_store %arg7[%swap3A], %swap3A_220 {strides = array<i32>} : memref<16xi32, #tpu.memory_space<vmem>>, vector<16xi32>,
      "tpu.region"() ({
        %run_scoped3A = tpu.sem_alloc : memref<!tpu.dma_semaphore, #tpu.memory_space<semaphore_mem>>
        %dma_start3A = tpu.memref_slice %arg4[%mul3A_2] : memref<128xi32, #tpu.memory_space<hbm>> -> memref<16xi32, #tpu.memory_space<hbm>>
        %dma_start3A_221 = tpu.memref_slice %arg4[%mul3A_2] : memref<128xi32, #tpu.memory_space<hbm>> -> memref<16xi32, #tpu.memory_space<hbm>>
        tpu.enqueue_dma source(%arg7 : memref<16xi32, #tpu.memory_space<vmem>>) target(%dma_start3A_221 : memref<16xi32, #tpu.memory_space<hbm>>) target_semaphore(%run_scoped3A : memref<!tpu.dma_semaphore, #tpu.memory_space<semaphore_mem>>)
        %dma_wait3A = tpu.memref_slice %arg4[%mul3A_2] : memref<128xi32, #tpu.memory_space<hbm>> -> memref<16xi32, #tpu.memory_space<hbm>>
        %dma_wait3A_222 = tpu.memref_slice %arg4[%mul3A_2] : memref<128xi32, #tpu.memory_space<hbm>> -> memref<16xi32, #tpu.memory_space<hbm>>
        tpu.wait_dma2 semaphore(%run_scoped3A : memref<!tpu.dma_semaphore, #tpu.memory_space<semaphore_mem>>) src(%arg7 : memref<16xi32, #tpu.memory_space<vmem>>) dst(%dma_wait3A_222 : memref<16xi32, #tpu.memory_space<hbm>>)
        tpu.yield
      }) : () -> ()
    } else {
    }
    return
  }
}

module attributes {stable_mosaic.version = 14 : i64} {
  func.func @_tc_body(%arg0: i32, %arg1: memref<64x8192xf32, #tpu.memory_space<vmem>>, %arg2: memref<128x64xf32, #tpu.memory_space<vmem>>, %arg3: memref<8192xf32, #tpu.memory_space<vmem>>, %arg4: memref<8192x128xf32, #tpu.memory_space<vmem>>, %arg5: memref<1x1x128xf32, #tpu.memory_space<vmem>>, %arg6: memref<1x1x128xi32, #tpu.memory_space<vmem>>) attributes {dimension_semantics = [#tpu.dimension_semantics<parallel>], iteration_bounds = array<i64: 13>, scalar_prefetch = 0 : i64, scratch_operands = 0 : i64, tpu.core_type = #tpu.core_type<tc>, window_params = [{transform_indices = @transform_0, window_bounds = array<i64: 64, 8192>}, {pipeline_mode = #tpu.pipeline_mode<synchronous>, transform_indices = @transform_1, window_bounds = array<i64: 128, 64>}, {transform_indices = @transform_2, window_bounds = array<i64: 8192>}, {transform_indices = @transform_3, window_bounds = array<i64: 8192, 128>}, {transform_indices = @transform_4, window_bounds = array<i64: 1, 1, 128>}, {transform_indices = @transform_5, window_bounds = array<i64: 1, 1, 128>}]} {
    %get3A = arith.constant 0 : index
    %get3A_0 = arith.constant 0 : index
    %get3A_1 = vector.load %arg1[%get3A, %get3A_0] : memref<64x8192xf32, #tpu.memory_space<vmem>>, vector<64x8192xf32>
    %get3A_2 = arith.constant 0 : index
    %get3A_3 = vector.load %arg3[%get3A_2] : memref<8192xf32, #tpu.memory_space<vmem>>, vector<8192xf32>
    %reshape3A = vector.shape_cast %get3A_3 : vector<8192xf32> to vector<1x8192xf32>
    %concatenate3A = tpu.concatenate %get3A_1, %reshape3A in 0 : vector<64x8192xf32>, vector<1x8192xf32> -> vector<65x8192xf32>
    %get3A_4 = arith.constant 0 : index
    %get3A_5 = arith.constant 0 : index
    %get3A_6 = vector.load %arg2[%get3A_4, %get3A_5] : memref<128x64xf32, #tpu.memory_space<vmem>>, vector<128x64xf32>
    %broadcast_in_dim3A = arith.constant 1.000000e+00 : f32
    %broadcast_in_dim3A_7 = vector.broadcast %broadcast_in_dim3A : f32 to vector<128x1xf32>
    %concatenate3A_8 = tpu.concatenate %get3A_6, %broadcast_in_dim3A_7 in 1 : vector<128x64xf32>, vector<128x1xf32> -> vector<128x65xf32>
    %dot_general3A = arith.constant dense<0.000000e+00> : vector<8192x128xf32>
    %dot_general3A_9 = tpu.matmul %concatenate3A, %concatenate3A_8, %dot_general3A {dimension_numbers = #tpu.dot_dimension_numbers<[0], [1], [1], [0], [0, 1, 1, 0], [], []>, transpose_lhs_hint = false} : vector<65x8192xf32>, vector<128x65xf32>, vector<8192x128xf32> -> vector<8192x128xf32>
    %swap3A = arith.constant 0 : index
    %swap3A_10 = arith.constant 0 : index
    %swap3A_11 = vector.load %arg4[%swap3A, %swap3A_10] : memref<8192x128xf32, #tpu.memory_space<vmem>>, vector<8192x128xf32>
    tpu.vector_store %arg4[%swap3A, %swap3A_10], %dot_general3A_9 {strides = array<i32>} : memref<8192x128xf32, #tpu.memory_space<vmem>>, vector<8192x128xf32>,
    %iota3A = tpu.iota {dimensions = array<i32: 0>} : vector<8192x128xi32>
    %ne3A = arith.constant 12 : i32
    %ne3A_12 = arith.cmpi ne, %arg0, %ne3A : i32
    %convert_element_type3A = arith.extui %ne3A_12 : i1 to i32
    %cond3A = arith.constant 0 : i32
    %cond3A_13 = arith.cmpi ne, %convert_element_type3A, %cond3A : i32
    scf.if %cond3A_13 {
      %reduce_max3A = arith.constant dense<0xFF800000> : vector<128xf32>
      %reduce_max3A_18 = vector.multi_reduction <maximumf>, %dot_general3A_9, %reduce_max3A [0] : vector<8192x128xf32> to vector<128xf32>
      %broadcast_in_dim3A_19 = vector.shape_cast %reduce_max3A_18 : vector<128xf32> to vector<1x128xf32>
      %eq3A_20 = vector.broadcast %broadcast_in_dim3A_19 : vector<1x128xf32> to vector<8192x128xf32>
      %eq3A_21 = arith.cmpf oeq, %dot_general3A_9, %eq3A_20 : vector<8192x128xf32>
      %jit3A = arith.constant 8192 : i32
      %broadcast_in_dim3A_22 = vector.broadcast %jit3A : i32 to vector<8192x128xi32>
      %select_n3A = arith.select %eq3A_21, %iota3A, %broadcast_in_dim3A_22 : vector<8192x128xi1>, vector<8192x128xi32>
      %reduce_min3A = arith.constant dense<2147483647> : vector<128xi32>
      %reduce_min3A_23 = vector.multi_reduction <minsi>, %select_n3A, %reduce_min3A [0] : vector<8192x128xi32> to vector<128xi32>
      %broadcast_in_dim3A_24 = vector.shape_cast %reduce_min3A_23 : vector<128xi32> to vector<1x128xi32>
      %reshape3A_25 = vector.shape_cast %broadcast_in_dim3A_19 : vector<1x128xf32> to vector<1x1x128xf32>
      %swap3A_26 = arith.constant 0 : index
      %swap3A_27 = arith.constant 0 : index
      %swap3A_28 = arith.constant 0 : index
      %swap3A_29 = vector.load %arg5[%swap3A_26, %swap3A_27, %swap3A_28] : memref<1x1x128xf32, #tpu.memory_space<vmem>>, vector<1x1x128xf32>
      tpu.vector_store %arg5[%swap3A_26, %swap3A_27, %swap3A_28], %reshape3A_25 {strides = array<i32>} : memref<1x1x128xf32, #tpu.memory_space<vmem>>, vector<1x1x128xf32>,
      %mul3A = arith.constant 8192 : i32
      %mul3A_30 = arith.muli %arg0, %mul3A : i32
      %add3A = vector.broadcast %mul3A_30 : i32 to vector<1x128xi32>
      %add3A_31 = arith.addi %broadcast_in_dim3A_24, %add3A : vector<1x128xi32>
      %reshape3A_32 = vector.shape_cast %add3A_31 : vector<1x128xi32> to vector<1x1x128xi32>
      %swap3A_33 = arith.constant 0 : index
      %swap3A_34 = arith.constant 0 : index
      %swap3A_35 = arith.constant 0 : index
      %swap3A_36 = vector.load %arg6[%swap3A_33, %swap3A_34, %swap3A_35] : memref<1x1x128xi32, #tpu.memory_space<vmem>>, vector<1x1x128xi32>
      tpu.vector_store %arg6[%swap3A_33, %swap3A_34, %swap3A_35], %reshape3A_32 {strides = array<i32>} : memref<1x1x128xi32, #tpu.memory_space<vmem>>, vector<1x1x128xi32>,
    } else {
    }
    %eq3A = arith.constant 12 : i32
    %eq3A_14 = arith.cmpi eq, %arg0, %eq3A : i32
    %convert_element_type3A_15 = arith.extui %eq3A_14 : i1 to i32
    %cond3A_16 = arith.constant 0 : i32
    %cond3A_17 = arith.cmpi ne, %convert_element_type3A_15, %cond3A_16 : i32
    scf.if %cond3A_17 {
      %mul3A = arith.constant 8192 : i32
      %mul3A_18 = arith.muli %arg0, %mul3A : i32
      %sub3A = arith.constant 100000 : i32
      %sub3A_19 = arith.subi %sub3A, %mul3A_18 : i32
      %lt3A = vector.broadcast %sub3A_19 : i32 to vector<8192x128xi32>
      %lt3A_20 = arith.cmpi slt, %iota3A, %lt3A : vector<8192x128xi32>
      %jit3A = arith.constant 0xFF800000 : f32
      %broadcast_in_dim3A_21 = vector.broadcast %jit3A : f32 to vector<8192x128xf32>
      %select_n3A = arith.select %lt3A_20, %dot_general3A_9, %broadcast_in_dim3A_21 : vector<8192x128xi1>, vector<8192x128xf32>
      %reduce_max3A = arith.constant dense<0xFF800000> : vector<128xf32>
      %reduce_max3A_22 = vector.multi_reduction <maximumf>, %select_n3A, %reduce_max3A [0] : vector<8192x128xf32> to vector<128xf32>
      %broadcast_in_dim3A_23 = vector.shape_cast %reduce_max3A_22 : vector<128xf32> to vector<1x128xf32>
      %eq3A_24 = vector.broadcast %broadcast_in_dim3A_23 : vector<1x128xf32> to vector<8192x128xf32>
      %eq3A_25 = arith.cmpf oeq, %select_n3A, %eq3A_24 : vector<8192x128xf32>
      %jit3A_26 = arith.constant 8192 : i32
      %broadcast_in_dim3A_27 = vector.broadcast %jit3A_26 : i32 to vector<8192x128xi32>
      %select_n3A_28 = arith.select %eq3A_25, %iota3A, %broadcast_in_dim3A_27 : vector<8192x128xi1>, vector<8192x128xi32>
      %reduce_min3A = arith.constant dense<2147483647> : vector<128xi32>
      %reduce_min3A_29 = vector.multi_reduction <minsi>, %select_n3A_28, %reduce_min3A [0] : vector<8192x128xi32> to vector<128xi32>
      %broadcast_in_dim3A_30 = vector.shape_cast %reduce_min3A_29 : vector<128xi32> to vector<1x128xi32>
      %reshape3A_31 = vector.shape_cast %broadcast_in_dim3A_23 : vector<1x128xf32> to vector<1x1x128xf32>
      %swap3A_32 = arith.constant 0 : index
      %swap3A_33 = arith.constant 0 : index
      %swap3A_34 = arith.constant 0 : index
      %swap3A_35 = vector.load %arg5[%swap3A_32, %swap3A_33, %swap3A_34] : memref<1x1x128xf32, #tpu.memory_space<vmem>>, vector<1x1x128xf32>
      tpu.vector_store %arg5[%swap3A_32, %swap3A_33, %swap3A_34], %reshape3A_31 {strides = array<i32>} : memref<1x1x128xf32, #tpu.memory_space<vmem>>, vector<1x1x128xf32>,
      %mul3A_36 = arith.constant 8192 : i32
      %mul3A_37 = arith.muli %arg0, %mul3A_36 : i32
      %add3A = vector.broadcast %mul3A_37 : i32 to vector<1x128xi32>
      %add3A_38 = arith.addi %broadcast_in_dim3A_30, %add3A : vector<1x128xi32>
      %reshape3A_39 = vector.shape_cast %add3A_38 : vector<1x128xi32> to vector<1x1x128xi32>
      %swap3A_40 = arith.constant 0 : index
      %swap3A_41 = arith.constant 0 : index
      %swap3A_42 = arith.constant 0 : index
      %swap3A_43 = vector.load %arg6[%swap3A_40, %swap3A_41, %swap3A_42] : memref<1x1x128xi32, #tpu.memory_space<vmem>>, vector<1x1x128xi32>
      tpu.vector_store %arg6[%swap3A_40, %swap3A_41, %swap3A_42], %reshape3A_39 {strides = array<i32>} : memref<1x1x128xi32, #tpu.memory_space<vmem>>, vector<1x1x128xi32>,
    } else {
    }
    return
  }
  func.func @transform_0(%arg0: i32) -> (i32, i32) {
    %c0_i32 = arith.constant 0 : i32
    %c0_i32_0 = arith.constant 0 : i32
    return %c0_i32, %arg0 : i32, i32
  }
  func.func @transform_1(%arg0: i32) -> (i32, i32) {
    %c0_i32 = arith.constant 0 : i32
    %c0_i32_0 = arith.constant 0 : i32
    %c0_i32_1 = arith.constant 0 : i32
    return %c0_i32, %c0_i32_0 : i32, i32
  }
  func.func @transform_2(%arg0: i32) -> i32 {
    %c0_i32 = arith.constant 0 : i32
    return %arg0 : i32
  }
  func.func @transform_3(%arg0: i32) -> (i32, i32) {
    %c0_i32 = arith.constant 0 : i32
    %c0_i32_0 = arith.constant 0 : i32
    return %arg0, %c0_i32 : i32, i32
  }
  func.func @transform_4(%arg0: i32) -> (i32, i32, i32) {
    %c0_i32 = arith.constant 0 : i32
    %c0_i32_0 = arith.constant 0 : i32
    %c0_i32_1 = arith.constant 0 : i32
    return %arg0, %c0_i32, %c0_i32_0 : i32, i32, i32
  }
  func.func @transform_5(%arg0: i32) -> (i32, i32, i32) {
    %c0_i32 = arith.constant 0 : i32
    %c0_i32_0 = arith.constant 0 : i32
    %c0_i32_1 = arith.constant 0 : i32
    return %arg0, %c0_i32, %c0_i32_0 : i32, i32, i32
  }
}

</mosaic_0001>

<sc_bundles>
// kernel: kernel.4.cloned.1.call-start
scs
__scs_entry_jumppad:
0x0: {  	(pc) =	sbr.rel $0x88, $3  }
0x1: {  	(tag) =	ssettag $0x0;
	lr =	simm.s32 $0x1  }
0x2: {  	[smem:$0x3F9E] =	sst lr;
	_ =	strace $0xD0000000  }
0x3: {  	_ = 	snop  }
0x4: {  	_ = 	snop  }
0x5: {  	_ = 	snop  }
0x6: {  	_ = 	snop  }
0x7: {  	_ = 	snop  }
__scs_overlays_trampoline_lowered:
0x8: {  	[smem:$0x3FAD] =	sst s0  }
0x9: {  	[smem:$0x3FAE] =	sst s1  }
0xa: {  	[smem:$0x3FAF] =	sst s2  }
0xb: {  	[smem:$0x3FB0] =	sst s3  }
0xc: {  	[smem:$0x3FB1] =	sst s4  }
0xd: {  	[smem:$0x3FB2] =	sst s5  }
0xe: {  	[smem:$0x3FB3] =	sst s6  }
0xf: {  	[smem:$0x3FB4] =	sst s7  }
0x10: {  	[smem:$0x3FB5] =	sst s8  }
0x11: {  	[smem:$0x3FB6] =	sst s9;
	s0 =	simm.s32 @!p0 $0x0  }
0x12: {  	s1 =	sld [smem:$0x3F9C];
	s0 =	simm.s32 @p0 $0x1  }
0x13: {  	[smem:$0x3FB7] =	sst s0;
	s0 =	simm.s32 @!p1 $0x0  }
0x14: {  	s2 =	sld [smem:$0x3F9B];
	s0 =	simm.s32 @p1 $0x1  }
0x15: {  	[smem:$0x3FB8] =	sst s0;
	s0 =	simm.s32 @!p2 $0x0  }
0x16: {  	s3 =	sld [smem:$0x3FDB];
	s0 =	simm.s32 @p2 $0x1  }
0x17: {  	s4 =	simm.s32 $0x1BF5;
	[smem:$0x3FBA] =	sst s0  }
0x18: {  	s0 =	sld [smem:$0x3F9D];
	_ =	swait.ge [sflag:s4], $0x0  }
0x19: {  	s7 =	sld [smem:$0x3F9E]  }
0x1a: {  	s8 =	sadd.s32 $0xFFFFE003, lr  }
0x1b: {  	s9 =	sadd.s32 $0xFFFFFEF7, lr;
	s5 =	simm.s32 $0xFFFFFFFF;
	p2 =	slt.u32 s8, $0xFFFFF086  }
0x1c: {  	p1 =	slt.u32 s9, $0xF7A;
	s5 =	simm.s32 @!p2 $0x0  }
0x1d: {  	s5 =	simm.s32 @p1 $0x1;
	p0 =	seq.s32 s7, s2  }
0x1e: {  	s7 =	smul.u32 @!p0 $0xF7A, s2;
	p2 =	seq.s32 @!p0 s5, $0x0  }
0x1f: {  	s9 =	smul.u32 $0xF7A, s1;
	s8 =	simm.s32 @!p0 $0x1BF5;
	p2 =	por !p2, p0  }
0x20: {  	[sflag:s8] =	ssyncset.s32 @!p0 $0xFFFFF086;
	s6 =	sadd.s32 @!p0 s3, s7;
	s7 =	simm.s32 @!p0 $0x108  }
0x21: {  	s3 =	sadd.s32 s3, s9;
	s6 =	sadd.s32 @!p0 $0x88, s6;
	s7 =	simm.s32 @p2 $0x1082  }
0x22: {  	[simem:s7], [sflag:s8] =	dma.local @!p0 [hbm:s6], $0xF7A  }
0x23: {  	s9 =	sor.u32 $0xD0000000, s2;
	s6 =	simm.s32 $0x108;
	_ =	swait.ge @!p0 [sflag:s8], $0x0  }
0x24: {  	s3 =	sadd.s32 $0x88, s3;
	s6 =	simm.s32 @!p1 $0x1082;
	[sflag:s4] =	ssyncset.s32 $0xFFFFF086  }
0x25: {  	[simem:s6], [sflag:s4] =	dma.local [hbm:s3], $0xF7A  }
0x26: {  	[smem:$0x3F9E] =	sst s1;
	(tag) =	ssettag s2;
	_ =	strace s9  }
0x27: {  	s1 =	sld [smem:$0x3FAE]  }
0x28: {  	s2 =	sld [smem:$0x3FAF]  }
0x29: {  	s4 =	sld [smem:$0x3FB1]  }
0x2a: {  	p0 =	seq.s32 s5, $0x0;
	s5 =	sld [smem:$0x3FB2]  }
0x2b: {  	s6 =	sld [smem:$0x3FB3]  }
0x2c: {  	s7 =	sld [smem:$0x3FB4]  }
0x2d: {  	s3 =	simm.s32 $0x108;
	s8 =	sld [smem:$0x3FB5]  }
0x2e: {  	s3 =	simm.s32 @!p0 $0x1082;
	s9 =	sld [smem:$0x3FB6]  }
0x2f: {  	lr =	sadd.s32 s0, s3;
	s0 =	sld [smem:$0x3FAD]  }
0x30: {  	s3 =	sld [smem:$0x3FB0]  }
0x31: {  	[smem:$0x3FB9] =	sst s10  }
0x32: {  	s10 =	sld [smem:$0x3FB7];
	_ =	sdelay $0x3  }
0x33: {  	p0 =	seq.s32 s10, $0x1;
	s10 =	sld [smem:$0x3FB9];
	_ =	sdelay $0x3  }
0x34: {  	[smem:$0x3FB9] =	sst s10  }
0x35: {  	s10 =	sld [smem:$0x3FB8];
	_ =	sdelay $0x3  }
0x36: {  	p1 =	seq.s32 s10, $0x1;
	s10 =	sld [smem:$0x3FB9];
	_ =	sdelay $0x3  }
0x37: {  	[smem:$0x3FB9] =	sst s10  }
0x38: {  	s10 =	sld [smem:$0x3FBA]  }
0x39: {  	_ = 	snop;
	(pc) =	sbr.ind lr, $3  }
0x3a: {  	_ = 	snop  }
0x3b: {  	_ = 	snop  }
0x3c: {  	p2 =	seq.s32 s10, $0x1;
	s10 =	sld [smem:$0x3FB9]  }
0x3d: {  	_ =	shalt  }
0x3e: {  	_ =	shalt  }
0x3f: {  	_ =	shalt  }
0x40: {  	_ =	shalt  }
0x41: {  	_ =	shalt  }
0x42: {  	_ =	shalt  }
0x43: {  	_ =	shalt  }
0x44: {  	_ =	shalt  }
0x45: {  	_ =	shalt  }
0x46: {  	_ =	shalt  }
0x47: {  	_ =	shalt  }
0x48: {  	_ =	shalt  }
0x49: {  	_ =	shalt  }
0x4a: {  	_ =	shalt  }
0x4b: {  	_ =	shalt  }
0x4c: {  	_ =	shalt  }
0x4d: {  	_ =	shalt  }
0x4e: {  	_ =	shalt  }
0x4f: {  	_ =	shalt  }
0x50: {  	_ =	shalt  }
0x51: {  	_ =	shalt  }
0x52: {  	_ =	shalt  }
0x53: {  	_ =	shalt  }
0x54: {  	_ =	shalt  }
0x55: {  	_ =	shalt  }
0x56: {  	_ =	shalt  }
0x57: {  	_ =	shalt  }
0x58: {  	_ =	shalt  }
0x59: {  	_ =	shalt  }
0x5a: {  	_ =	shalt  }
0x5b: {  	_ =	shalt  }
0x5c: {  	_ =	shalt  }
0x5d: {  	_ =	shalt  }
0x5e: {  	_ =	shalt  }
0x5f: {  	_ =	shalt  }
0x60: {  	_ =	shalt  }
0x61: {  	_ =	shalt  }
0x62: {  	_ =	shalt  }
0x63: {  	_ =	shalt  }
0x64: {  	_ =	shalt  }
0x65: {  	_ =	shalt  }
0x66: {  	_ =	shalt  }
0x67: {  	_ =	shalt  }
0x68: {  	_ =	shalt  }
0x69: {  	_ =	shalt  }
0x6a: {  	_ =	shalt  }
0x6b: {  	_ =	shalt  }
0x6c: {  	_ =	shalt  }
0x6d: {  	_ =	shalt  }
0x6e: {  	_ =	shalt  }
0x6f: {  	_ =	shalt  }
0x70: {  	_ =	shalt  }
0x71: {  	_ =	shalt  }
0x72: {  	_ =	shalt  }
0x73: {  	_ =	shalt  }
0x74: {  	_ =	shalt  }
0x75: {  	_ =	shalt  }
0x76: {  	_ =	shalt  }
0x77: {  	_ =	shalt  }
0x78: {  	_ =	shalt  }
0x79: {  	_ =	shalt  }
0x7a: {  	_ =	shalt  }
0x7b: {  	_ =	shalt  }
0x7c: {  	_ =	shalt  }
0x7d: {  	_ =	shalt  }
0x7e: {  	_ =	shalt  }
0x7f: {  	_ =	shalt  }
0x80: {  	_ =	shalt  }
0x81: {  	_ =	shalt  }
0x82: {  	_ =	shalt  }
0x83: {  	_ =	shalt  }
0x84: {  	_ =	shalt  }
0x85: {  	_ =	shalt  }
0x86: {  	_ =	shalt  }
0x87: {  	_ =	shalt  }
.Lfunc_end0:
.L_simem_size_0:
called_computation_lowered:
.L_overlay_start_0:
0x88: {  	s0 =	sld [smem:$0x3FD9]  }
0x89: {  	s1 =	sld [smem:$0x3FFE];
	_ =	sdelay $0x3  }
0x8a: {  	s0 =	sadd.s32 s1, s0  }
0x8b: {  	[smem:$0x3FC5] =	sst s0  }
0x8c: {  	_ = 	snop  }
0x8d: {  	s0 =	sld [smem:$0x3FD0];
	_ =	sdelay $0x2  }
0x8e: {  	s13 =	simm.s32 $0xA;
	s2 =	simm.s32 $0x10  }
0x8f: {  	[smem:s2], [sflag:s13] =	dma.local [hbm:s0], $0x1  }
0x90: {  	_ =	swait.eq [sflag:s13], $0x1  }
0x91: {  	[sflag:s13] =	ssyncset.done $0x0  }
0x92: {  	[sflag:s13] =	ssyncadd.s32 $0xFFFFFFFF  }
0x93: {  	s14 =	sld [smem:$0x10];
	(tm) =	ssettm $0x1  }
0x94: {  	s15 =	sld [smem:$0x3FFB];
	_ =	sdelay $0x3  }
0x95: {  	_ =	strace s15  }
0x96: {  	s1 =	sld [smem:$0x3FFC];
	_ =	sdelay $0x3  }
0x97: {  	_ =	strace s1  }
0x98: {  	s1 =	sld [smem:$0x3FFD];
	_ =	sdelay $0x3  }
0x99: {  	_ =	strace s1  }
0x9a: {  	_ =	strace $0x8FFFFFFF  }
0x9b: {  	s16 =	sld [smem:$0x3FDB];
	_ =	sdelay $0x1  }
0x9c: {  	s17 =	simm.s32 $_scs_section_size  }
0x9d: {  	s3 =	simm.s32 $_size__tile_overlayer_lowered;
	s4 =	simm.s32 $_tile_overlayer_lowered  }
0x9e: {  	s20 =	simm.s32 $0x1BFF;
	s19 =	sshll.u32 s4, $0x1;
	s1 =	sadd.s32 s17, s16  }
0x9f: {  	s5 =	simm.s32 $0x0;
	s18 =	sshll.u32 s3, $0x1;
	s3 =	sadd.s32 s19, s1  }
0xa0: {  	[timem:s5], [sflag:s20] =	dma.local [hbm:s3], s18  }
0xa1: {  	_ =	swait.ge [sflag:s20], s18  }
0xa2: {  	s2 =	ssub.s32 $0x0, s18;
	[sflag:s20] =	ssyncset.done $0x0  }
0xa3: {  	[sflag:s20] =	ssyncadd.s32 s2;
	_ =	sdelay $0x1  }
0xa4: {  	s21 =	simm.s32 $0x1B8B  }
0xa5: {  	_ =	swait.ge [sflag:s21], $0x1  }
0xa6: {  	[sflag:s21] =	ssyncset.done $0x0  }
0xa7: {  	s23 =	simm.s32 $0x1B8E;
	s22 =	sld [smem:$0x3FFE];
	[sflag:s21] =	ssyncadd.s32 $0xFFFFFFFF  }
0xa8: {  	s24 =	simm.s32 $execute0_lowered;
	[smem:$0x3FD2] =	sst s23  }
0xa9: {  	s3 =	sshll.u32 s24, $0x1;
	_ =	strace $0x80000046;
	[dreg:$0x1] =	wrdreg $0xFFFFFFFF  }
0xaa: {  	s25 =	simm.s32 $_size_execute0_lowered;
	s1 =	sadd.s32 s1, s3;
	[dreg:$0x0] =	wrdreg $0x0  }
0xab: {  	s3 =	sshll.u32 s25, $0x1;
	[dreg:$0x2] =	wrdreg s1  }
0xac: {  	[dreg:$0x3] =	wrdreg s3  }
0xad: {  	[dreg:$0x4] =	wrdreg $0xC0  }
0xae: {  	_ =	task [dreg:s5], $0x5FFFF  }
0xaf: {  	[dreg:$0x1] =	wrdreg $0xFFFFFFFF  }
0xb0: {  	[dreg:$0x0] =	wrdreg $0x60  }
0xb1: {  	[dreg:$0x2] =	wrdreg s22  }
0xb2: {  	[dreg:$0x3] =	wrdreg s14  }
0xb3: {  	[dreg:$0x4] =	wrdreg $0x9  }
0xb4: {  	_ =	task.clear_ibuf [dreg:s5], $0x5FFFF;
	_ =	strace $0x90000046  }
0xb5: {  	s26 =	simm.s32 $0x9;
	_ =	strace $0x80000048  }
0xb6: {  	_ =	swait.ge [sflag:s26], $0x1  }
0xb7: {  	[sflag:s26] =	ssyncadd.s32 $0xFFFFFFFF  }
0xb8: {  	_ =	strace $0x90000048  }
0xb9: {  	_ =	sfence  }
0xba: {  	s28 =	sld [smem:$0x0];
	_ =	sdelay $0x1  }
0xbb: {  	s29 =	srdreg.scid  }
0xbc: {  	s30 =	sshll.u32 s29, $0xD;
	s31 =	sshrl.u32 s29, $0x2  }
0xbd: {  	s2 =	sand.u32 $0x4000, s30;
	s1 =	sand.u32 $0x1, s29;
	s0 =	sadd.s32 s31, s28  }
0xbe: {  	s1 =	sor.u32 s2, s1;
	s0 =	sshll.u32 s0, $0x11  }
0xbf: {  	s0 =	sor.u32 s0, s1  }
0xc0: {  	s0 =	sadd.s32 $0x8F2B, s0  }
0xc1: {  	[sflag:s0] =	ssyncadd.remote.s32 $0x1  }
0xc2: {  	_ =	sfence.sel $0xFFFF  }
0xc3: {  	[dreg:$0x0] =	wrdreg $0xFFFFFFFF;
	(pc) =	sbr.abs _section_cstart, $3  }
0xc4: {  	[dreg:$0x1] =	wrdreg $0xFFFFFFFF  }
0xc5: {  	_ =	task.clear_ibuf [dreg:s5], $0x2FFFF;
	_ =	strace $0x9FFFFFFF  }
0xc6: {  	(tm) =	ssettm $0x7FFFFFFF  }
0xc7: {  	_ =	shalt  }
tec
execute0_lowered:
.L_overlay_start_1:
0x0: {  	(tag) =	ssettag $0x1  }
0x1: {  	s1 =	stileid.u32  }
0x2: {  	p0 =	sgt.u32 s1, $0x7  }
.Ltmp0:
0x3: {  	_ = 	snop;
	(pc) =	sbr.rel @p0 .LBB2_2-.Ltmp0, $4  }
0x4: {  	s5 =	rddreg [dreg:$0x0]  }
0x5: {  	s3 =	rddreg [dreg:$0x1];
	s2 =	simm.s32 $0x0  }
0x6: {  	[smem:$0x7FF] =	sst s2  }
0x7: {  	s0 =	rddreg [dreg:$0x2];
	_ =	strace $0x80000047  }
0x8: {  	s4 =	sadd.s32 $0xC00, s5;
	s20 =	simm.s32 $0x1  }
0x9: {  	[tilespmem:s2], [sflag:$0x1] =	stream.linear.gather [hbm4b:s4+s2], $0x680, $0x38;
	[tilespmem:$0xD80] =	vst v63  }
0xa: {  	_ =	swait.ge [sflag:s20], $0x680  }
0xb: {  	[sflag:s20] =	ssyncset.done $0x0  }
0xc: {  	s21 =	sadd.s32 $0xE00, s5;
	s6 =	simm.s32 $0x680;
	[sflag:s20] =	ssyncadd.s32 $0xFFFFF980  }
0xd: {  	[tilespmem:s6], [sflag:$0x1] =	stream.linear.gather [hbm4b:s21+s2], $0x680, $0x38;
	[tilespmem:$0xD80] =	vst v63  }
0xe: {  	_ =	swait.ge [sflag:s20], $0x680  }
0xf: {  	[sflag:s20] =	ssyncset.done $0x0  }
0x10: {  	s22 =	sshll.u32 s1, $0x4;
	[sflag:s20] =	ssyncadd.s32 $0xFFFFF980  }
0x11: {  	v0 =	vld [tilespmem:s22+$0x0]  }
0x12: {  	s23 =	sor.u32 $0x80, s22;
	v1 =	vld [tilespmem:s22+$0x680]  }
0x13: {  	v2 =	vld [tilespmem:s23+$0x0]  }
0x14: {  	v3 =	vld [tilespmem:s22+$0x700]  }
0x15: {  	v4 =	vld [tilespmem:s22+$0x100]  }
0x16: {  	s24 =	sor.u32 $0x180, s22;
	v5 =	vld [tilespmem:s22+$0x780]  }
0x17: {  	v6 =	vld [tilespmem:s24+$0x0]  }
0x18: {  	v7 =	vld [tilespmem:s22+$0x800];
	vm0 =	vgt.f32 v2, v0  }
0x19: {  	v51 =	vld [tilespmem:s22+$0x200];
	v0 =	vsel vm0, v2, v0  }
0x1a: {  	s25 =	sor.u32 $0x280, s22;
	v8 =	vld [tilespmem:s22+$0x880];
	vm1 =	vgt.f32 v4, v0  }
0x1b: {  	v52 =	vld [tilespmem:s25+$0x0];
	v0 =	vsel vm1, v4, v0  }
0x1c: {  	v9 =	vld [tilespmem:s22+$0x900];
	vm2 =	vgt.f32 v6, v0  }
0x1d: {  	v53 =	vld [tilespmem:s22+$0x300];
	v0 =	vsel vm2, v6, v0  }
0x1e: {  	s26 =	sor.u32 $0x380, s22;
	v10 =	vld [tilespmem:s22+$0x980];
	vm3 =	vgt.f32 v51, v0  }
0x1f: {  	v54 =	vld [tilespmem:s26+$0x0];
	v0 =	vsel vm3, v51, v0  }
0x20: {  	v11 =	vld [tilespmem:s22+$0xA00];
	vm4 =	vgt.f32 v52, v0  }
0x21: {  	v55 =	vld [tilespmem:s22+$0x400];
	v0 =	vsel vm4, v52, v0  }
0x22: {  	s28 =	sor.u32 $0x480, s22;
	v12 =	vld [tilespmem:s22+$0xA80];
	vm5 =	vgt.f32 v53, v0  }
0x23: {  	v56 =	vld [tilespmem:s28+$0x0];
	v0 =	vsel vm5, v53, v0  }
0x24: {  	v57 =	vld [tilespmem:s22+$0xB00];
	v1 =	vsel vm0, v3, v1;
	vm10 =	vgt.f32 v54, v0  }
0x25: {  	v58 =	vld [tilespmem:s22+$0x500];
	v1 =	vsel vm1, v5, v1;
	v0 =	vsel vm10, v54, v0  }
0x26: {  	s29 =	sor.u32 $0x580, s22;
	v59 =	vld [tilespmem:s22+$0xB80];
	v1 =	vsel vm2, v7, v1;
	vm11 =	vgt.f32 v55, v0  }
0x27: {  	v60 =	vld [tilespmem:s29+$0x0];
	v1 =	vsel vm3, v8, v1;
	v0 =	vsel vm11, v55, v0  }
0x28: {  	v61 =	vld [tilespmem:s22+$0xC00];
	v1 =	vsel vm4, v9, v1;
	vm12 =	vgt.f32 v56, v0  }
0x29: {  	v62 =	vld [tilespmem:s22+$0x600];
	v1 =	vsel vm5, v10, v1;
	v0 =	vsel vm12, v56, v0  }
0x2a: {  	v63 =	vld [tilespmem:s22+$0xC80];
	v1 =	vsel vm10, v11, v1;
	vm13 =	vgt.f32 v58, v0  }
0x2b: {  	v1 =	vsel vm11, v12, v1;
	v0 =	vsel vm13, v58, v0  }
0x2c: {  	v1 =	vsel vm12, v57, v1;
	vm14 =	vgt.f32 v60, v0  }
0x2d: {  	v1 =	vsel vm13, v59, v1;
	v0 =	vsel vm14, v60, v0  }
0x2e: {  	v1 =	vsel vm14, v61, v1;
	vm15 =	vgt.f32 v62, v0  }
0x2f: {  	s30 =	sshll.u32 s1, $0x1;
	v0 =	vsel vm15, v63, v1  }
0x30: {  	s31 =	simm.s32 $0xD00;
	s3 =	sadd.s32 s3, s30;
	[tilespmem:$0xD00] =	vst v0  }
0x31: {  	[hbm4b:s3+s2] =	stream.linear.scatter [tilespmem:s31], [sflag:$0x1], $0x10, $0x38;
	[tilespmem:$0xD80] =	vst v63  }
0x32: {  	_ =	swait.ge [sflag:s20], $0x10  }
0x33: {  	[sflag:s20] =	ssyncset.done $0x0  }
0x34: {  	[sflag:s20] =	ssyncadd.s32 $0xFFFFFFF0  }
.LBB2_2:
0x35: {  	_ =	sfence.sel $0x180000  }
0x36: {  	[bflag:$0x0] =	sbarrier.arrive $0xFFFF  }
0x37: {  	p0 =	sne.s32 s1, $0x0;
	_ =	strace $0x90000047  }
0x38: {  	s0 =	sadd.s32 @!p0 $0x100000, s0;
	[bflag:$0x2] =	sbarrier.arrive $0xFFFF  }
0x39: {  	[sflag:s0] =	ssyncadd.tile.s32 @!p0 $0x1;
	_ =	shalt  }
.Lfunc_end2:
_tile_overlayer_lowered:
.L_overlay_start_2:
0x3a: {  	(tag) =	ssettag $0x2  }
0x3b: {  	s0 =	rddreg [dreg:$0x0];
	s2 =	stileid.u32  }
0x3c: {  	s1 =	rddreg [dreg:$0x1];
	p0 =	sne.s32 s2, $0x0  }
0x3d: {  	s3 =	rddreg [dreg:$0x2];
	[bflag:$0x3] =	sbarrier.arrive $0xFFFF;
	s2 =	simm.s32 @!p0 $0x1C01  }
0x3e: {  	[timem:s3], [sflag:s2] =	dma.local @!p0 [hbm:s0], s1  }
0x3f: {  	s0 =	simm.s32 @!p0 $0x1  }
0x40: {  	_ =	swait.ge @!p0 [sflag:s0], s1  }
0x41: {  	s1 =	ssub.s32 @!p0 $0x0, s1;
	[sflag:s0] =	ssyncset.done @!p0 $0x0  }
0x42: {  	[sflag:s0] =	ssyncadd.s32 @!p0 s1  }
0x43: {  	[bflag:$0x3] =	sbarrier.arrive $0xFFFF  }
0x44: {  	_ =	shalt  }

</sc_bundles>
